<compile_context>
chip_gen: v7x
topology: tpu7x:2x2x1
jax: 0.10.2.dev20260603
libtpu: 0.0.44.dev20260713+nightly
codegen_flags: <defaults>
</compile_context>

<pallas_src>
import functools

import jax
import jax.numpy as jnp
from jax import lax
from jax.experimental import pallas as pl
from jax.experimental.pallas import tpu as pltpu
from jax.experimental.pallas import tpu_sc as plsc


def _sc_gather(x_hbm, out_hbm, idx_v, out_v, sem):
    wid = lax.axis_index("s")
    lane = lax.iota(jnp.int32, 16)
    for rr in range(2):
        r = wid * 2 + rr

        @pl.when(r < 25)
        def _():
            i = r // 5
            j = r % 5
            base = j * 32768 + 1 + i
            for t in range(8):
                idx_v[pl.ds(t * 16, 16)] = (lane + t * 16) * 163840 + base
            pltpu.async_copy(x_hbm.at[idx_v], out_v, sem).wait()
            pltpu.sync_copy(out_v, out_hbm.at[pl.ds(r * 128, 128)])


@functools.partial(
    pl.kernel,
    out_type=jax.ShapeDtypeStruct((3200,), jnp.float32),
    mesh=plsc.VectorSubcoreMesh(
        core_axis_name="c", subcore_axis_name="s", num_cores=1
    ),
    scratch_types=[
        pltpu.VMEM((128,), jnp.int32),
        pltpu.VMEM((128,), jnp.float32),
        pltpu.SemaphoreType.DMA,
    ],
)
def _sc_kernel(x_hbm, out_hbm, idx_v, out_v, sem):
    _sc_gather(x_hbm, out_hbm, idx_v, out_v, sem)


def kernel(x):
    xin = jnp.transpose(x, (0, 1, 3, 2)).reshape(20971520)
    yflat = _sc_kernel(xin)
    return jnp.transpose(yflat.reshape(5, 5, 128), (2, 0, 1)).reshape(128, 1, 5, 5)

# --- scband reference (transcript-rebuilt; emitter-appended) ---
"""Pipeline reference for scband-simple-aten-index-tensor-axis2-65953517797518 (READ-ONLY COPY).

The authoritative reference and input builder live on the scoring server;
editing this copy changes nothing except your own understanding.
"""

import jax, jax.numpy as jnp
import numpy as np


def setup_inputs(seed: int = 0) -> dict:
    key = jax.random.key(seed)
    x = jax.random.normal(key, (128, 1, 32768, 5), dtype=jnp.float32)
    return {"x": x}


def reference(x):
    # Faithful translation of: y = x[:, :, self.idx] with idx = [1,2,3,4,5]
    idx = jnp.array([1, 2, 3, 4, 5], dtype=jnp.int32)
    y = jnp.take(x, idx, axis=2)
    return y

if __name__ == "__main__":
    import jax
    _d = setup_inputs()
    print(jax.jit(kernel)(*tuple(_d.values())))

</pallas_src>

<mosaic_0001>
#map = affine_map<(d0, d1) -> (0)>
module attributes {stable_mosaic.version = 14 : i64} {
  func.func @_sc_kernel(%arg0: i32, %arg1: i32, %arg2: memref<20971520xf32, #tpu.memory_space<hbm>>, %arg3: memref<3200xf32, #tpu.memory_space<hbm>>, %arg4: memref<128xi32, #tpu.memory_space<vmem>>, %arg5: memref<128xf32, #tpu.memory_space<vmem>>, %arg6: memref<!tpu.dma_semaphore, #tpu.memory_space<semaphore_mem>>) attributes {dimension_semantics = [#tpu.dimension_semantics<core_parallel>, #tpu.dimension_semantics<subcore_parallel>], iteration_bounds = array<i64: 1, 16>, scalar_prefetch = 0 : i64, scratch_operands = 3 : i64, tpu.core_type = #tpu.core_type<sc_vector_subcore>, window_params = [{transform_indices = #map}, {transform_indices = #map}]} {
    %iota3A = tpu.iota {dimensions = array<i32: 0>} : vector<16xi32>
    %mul3A = arith.constant 2 : i32
    %mul3A_0 = arith.muli %arg1, %mul3A : i32
    %add3A = arith.constant 0 : i32
    %add3A_1 = arith.addi %mul3A_0, %add3A : i32
    %lt3A = arith.constant 25 : i32
    %lt3A_2 = arith.cmpi slt, %add3A_1, %lt3A : i32
    %convert_element_type3A = arith.extui %lt3A_2 : i1 to i32
    %cond3A = arith.constant 0 : i32
    %cond3A_3 = arith.cmpi ne, %convert_element_type3A, %cond3A : i32
    scf.if %cond3A_3 {
      %jit3A = arith.constant 5 : i32
      %div3A = arith.divsi %add3A_1, %jit3A : i32
      %sign3A = arith.constant 0 : i32
      %sign3A_13 = arith.cmpi sgt, %add3A_1, %sign3A : i32
      %sign3A_14 = arith.extui %sign3A_13 : i1 to i32
      %sign3A_15 = arith.constant 0 : i32
      %sign3A_16 = arith.cmpi slt, %add3A_1, %sign3A_15 : i32
      %sign3A_17 = arith.extui %sign3A_16 : i1 to i32
      %sign3A_18 = arith.subi %sign3A_14, %sign3A_17 : i32
      %sign3A_19 = arith.constant 0 : i32
      %sign3A_20 = arith.cmpi sgt, %jit3A, %sign3A_19 : i32
      %sign3A_21 = arith.extui %sign3A_20 : i1 to i32
      %sign3A_22 = arith.constant 0 : i32
      %sign3A_23 = arith.cmpi slt, %jit3A, %sign3A_22 : i32
      %sign3A_24 = arith.extui %sign3A_23 : i1 to i32
      %sign3A_25 = arith.subi %sign3A_21, %sign3A_24 : i32
      %ne3A = arith.cmpi ne, %sign3A_18, %sign3A_25 : i32
      %rem3A = arith.remsi %add3A_1, %jit3A : i32
      %ne3A_26 = arith.constant 0 : i32
      %ne3A_27 = arith.cmpi ne, %rem3A, %ne3A_26 : i32
      %and3A = arith.andi %ne3A, %ne3A_27 : i1
      %sub3A = arith.constant 1 : i32
      %sub3A_28 = arith.subi %div3A, %sub3A : i32
      %select_n3A = arith.select %and3A, %sub3A_28, %div3A : i32
      %jit3A_29 = arith.constant 5 : i32
      %eq3A = arith.constant 0 : i32
      %eq3A_30 = arith.cmpi eq, %jit3A_29, %eq3A : i32
      %jit3A_31 = arith.constant 1 : i32
      %select_n3A_32 = arith.select %eq3A_30, %jit3A_31, %jit3A_29 : i32
      %rem3A_33 = arith.remsi %add3A_1, %select_n3A_32 : i32
      %ne3A_34 = arith.constant 0 : i32
      %ne3A_35 = arith.cmpi ne, %rem3A_33, %ne3A_34 : i32
      %lt3A_36 = arith.constant 0 : i32
      %lt3A_37 = arith.cmpi slt, %rem3A_33, %lt3A_36 : i32
      %lt3A_38 = arith.constant 0 : i32
      %lt3A_39 = arith.cmpi slt, %select_n3A_32, %lt3A_38 : i32
      %ne3A_40 = arith.xori %lt3A_37, %lt3A_39 : i1
      %and3A_41 = arith.andi %ne3A_40, %ne3A_35 : i1
      %add3A_42 = arith.addi %rem3A_33, %select_n3A_32 : i32
      %select_n3A_43 = arith.select %and3A_41, %add3A_42, %rem3A_33 : i32
      %mul3A_44 = arith.constant 32768 : i32
      %mul3A_45 = arith.muli %select_n3A_43, %mul3A_44 : i32
      %add3A_46 = arith.constant 1 : i32
      %add3A_47 = arith.addi %mul3A_45, %add3A_46 : i32
      %add3A_48 = arith.addi %add3A_47, %select_n3A : i32
      %add3A_49 = arith.constant 0 : i32
      %add3A_50 = vector.broadcast %add3A_49 : i32 to vector<16xi32>
      %add3A_51 = arith.addi %iota3A, %add3A_50 : vector<16xi32>
      %mul3A_52 = arith.constant 163840 : i32
      %mul3A_53 = vector.broadcast %mul3A_52 : i32 to vector<16xi32>
      %mul3A_54 = arith.muli %add3A_51, %mul3A_53 : vector<16xi32>
      %add3A_55 = vector.broadcast %add3A_48 : i32 to vector<16xi32>
      %add3A_56 = arith.addi %mul3A_54, %add3A_55 : vector<16xi32>
      %swap3A = arith.constant 0 : index
      %swap3A_57 = tpu.vector_load %arg4[%swap3A] {strides = array<i32>} : memref<128xi32, #tpu.memory_space<vmem>>, vector<16xi32>,
      %swap3A_58 = vector.shape_cast %swap3A_57 : vector<16xi32> to vector<16xi32>
      %swap3A_59 = vector.shape_cast %add3A_56 : vector<16xi32> to vector<16xi32>
      tpu.vector_store %arg4[%swap3A], %swap3A_59 {strides = array<i32>} : memref<128xi32, #tpu.memory_space<vmem>>, vector<16xi32>,
      %add3A_60 = arith.constant 16 : i32
      %add3A_61 = vector.broadcast %add3A_60 : i32 to vector<16xi32>
      %add3A_62 = arith.addi %iota3A, %add3A_61 : vector<16xi32>
      %mul3A_63 = arith.constant 163840 : i32
      %mul3A_64 = vector.broadcast %mul3A_63 : i32 to vector<16xi32>
      %mul3A_65 = arith.muli %add3A_62, %mul3A_64 : vector<16xi32>
      %add3A_66 = vector.broadcast %add3A_48 : i32 to vector<16xi32>
      %add3A_67 = arith.addi %mul3A_65, %add3A_66 : vector<16xi32>
      %swap3A_68 = arith.constant 16 : index
      %swap3A_69 = tpu.vector_load %arg4[%swap3A_68] {strides = array<i32>} : memref<128xi32, #tpu.memory_space<vmem>>, vector<16xi32>,
      %swap3A_70 = vector.shape_cast %swap3A_69 : vector<16xi32> to vector<16xi32>
      %swap3A_71 = vector.shape_cast %add3A_67 : vector<16xi32> to vector<16xi32>
      tpu.vector_store %arg4[%swap3A_68], %swap3A_71 {strides = array<i32>} : memref<128xi32, #tpu.memory_space<vmem>>, vector<16xi32>,
      %add3A_72 = arith.constant 32 : i32
      %add3A_73 = vector.broadcast %add3A_72 : i32 to vector<16xi32>
      %add3A_74 = arith.addi %iota3A, %add3A_73 : vector<16xi32>
      %mul3A_75 = arith.constant 163840 : i32
      %mul3A_76 = vector.broadcast %mul3A_75 : i32 to vector<16xi32>
      %mul3A_77 = arith.muli %add3A_74, %mul3A_76 : vector<16xi32>
      %add3A_78 = vector.broadcast %add3A_48 : i32 to vector<16xi32>
      %add3A_79 = arith.addi %mul3A_77, %add3A_78 : vector<16xi32>
      %swap3A_80 = arith.constant 32 : index
      %swap3A_81 = tpu.vector_load %arg4[%swap3A_80] {strides = array<i32>} : memref<128xi32, #tpu.memory_space<vmem>>, vector<16xi32>,
      %swap3A_82 = vector.shape_cast %swap3A_81 : vector<16xi32> to vector<16xi32>
      %swap3A_83 = vector.shape_cast %add3A_79 : vector<16xi32> to vector<16xi32>
      tpu.vector_store %arg4[%swap3A_80], %swap3A_83 {strides = array<i32>} : memref<128xi32, #tpu.memory_space<vmem>>, vector<16xi32>,
      %add3A_84 = arith.constant 48 : i32
      %add3A_85 = vector.broadcast %add3A_84 : i32 to vector<16xi32>
      %add3A_86 = arith.addi %iota3A, %add3A_85 : vector<16xi32>
      %mul3A_87 = arith.constant 163840 : i32
      %mul3A_88 = vector.broadcast %mul3A_87 : i32 to vector<16xi32>
      %mul3A_89 = arith.muli %add3A_86, %mul3A_88 : vector<16xi32>
      %add3A_90 = vector.broadcast %add3A_48 : i32 to vector<16xi32>
      %add3A_91 = arith.addi %mul3A_89, %add3A_90 : vector<16xi32>
      %swap3A_92 = arith.constant 48 : index
      %swap3A_93 = tpu.vector_load %arg4[%swap3A_92] {strides = array<i32>} : memref<128xi32, #tpu.memory_space<vmem>>, vector<16xi32>,
      %swap3A_94 = vector.shape_cast %swap3A_93 : vector<16xi32> to vector<16xi32>
      %swap3A_95 = vector.shape_cast %add3A_91 : vector<16xi32> to vector<16xi32>
      tpu.vector_store %arg4[%swap3A_92], %swap3A_95 {strides = array<i32>} : memref<128xi32, #tpu.memory_space<vmem>>, vector<16xi32>,
      %add3A_96 = arith.constant 64 : i32
      %add3A_97 = vector.broadcast %add3A_96 : i32 to vector<16xi32>
      %add3A_98 = arith.addi %iota3A, %add3A_97 : vector<16xi32>
      %mul3A_99 = arith.constant 163840 : i32
      %mul3A_100 = vector.broadcast %mul3A_99 : i32 to vector<16xi32>
      %mul3A_101 = arith.muli %add3A_98, %mul3A_100 : vector<16xi32>
      %add3A_102 = vector.broadcast %add3A_48 : i32 to vector<16xi32>
      %add3A_103 = arith.addi %mul3A_101, %add3A_102 : vector<16xi32>
      %swap3A_104 = arith.constant 64 : index
      %swap3A_105 = tpu.vector_load %arg4[%swap3A_104] {strides = array<i32>} : memref<128xi32, #tpu.memory_space<vmem>>, vector<16xi32>,
      %swap3A_106 = vector.shape_cast %swap3A_105 : vector<16xi32> to vector<16xi32>
      %swap3A_107 = vector.shape_cast %add3A_103 : vector<16xi32> to vector<16xi32>
      tpu.vector_store %arg4[%swap3A_104], %swap3A_107 {strides = array<i32>} : memref<128xi32, #tpu.memory_space<vmem>>, vector<16xi32>,
      %add3A_108 = arith.constant 80 : i32
      %add3A_109 = vector.broadcast %add3A_108 : i32 to vector<16xi32>
      %add3A_110 = arith.addi %iota3A, %add3A_109 : vector<16xi32>
      %mul3A_111 = arith.constant 163840 : i32
      %mul3A_112 = vector.broadcast %mul3A_111 : i32 to vector<16xi32>
      %mul3A_113 = arith.muli %add3A_110, %mul3A_112 : vector<16xi32>
      %add3A_114 = vector.broadcast %add3A_48 : i32 to vector<16xi32>
      %add3A_115 = arith.addi %mul3A_113, %add3A_114 : vector<16xi32>
      %swap3A_116 = arith.constant 80 : index
      %swap3A_117 = tpu.vector_load %arg4[%swap3A_116] {strides = array<i32>} : memref<128xi32, #tpu.memory_space<vmem>>, vector<16xi32>,
      %swap3A_118 = vector.shape_cast %swap3A_117 : vector<16xi32> to vector<16xi32>
      %swap3A_119 = vector.shape_cast %add3A_115 : vector<16xi32> to vector<16xi32>
      tpu.vector_store %arg4[%swap3A_116], %swap3A_119 {strides = array<i32>} : memref<128xi32, #tpu.memory_space<vmem>>, vector<16xi32>,
      %add3A_120 = arith.constant 96 : i32
      %add3A_121 = vector.broadcast %add3A_120 : i32 to vector<16xi32>
      %add3A_122 = arith.addi %iota3A, %add3A_121 : vector<16xi32>
      %mul3A_123 = arith.constant 163840 : i32
      %mul3A_124 = vector.broadcast %mul3A_123 : i32 to vector<16xi32>
      %mul3A_125 = arith.muli %add3A_122, %mul3A_124 : vector<16xi32>
      %add3A_126 = vector.broadcast %add3A_48 : i32 to vector<16xi32>
      %add3A_127 = arith.addi %mul3A_125, %add3A_126 : vector<16xi32>
      %swap3A_128 = arith.constant 96 : index
      %swap3A_129 = tpu.vector_load %arg4[%swap3A_128] {strides = array<i32>} : memref<128xi32, #tpu.memory_space<vmem>>, vector<16xi32>,
      %swap3A_130 = vector.shape_cast %swap3A_129 : vector<16xi32> to vector<16xi32>
      %swap3A_131 = vector.shape_cast %add3A_127 : vector<16xi32> to vector<16xi32>
      tpu.vector_store %arg4[%swap3A_128], %swap3A_131 {strides = array<i32>} : memref<128xi32, #tpu.memory_space<vmem>>, vector<16xi32>,
      %add3A_132 = arith.constant 112 : i32
      %add3A_133 = vector.broadcast %add3A_132 : i32 to vector<16xi32>
      %add3A_134 = arith.addi %iota3A, %add3A_133 : vector<16xi32>
      %mul3A_135 = arith.constant 163840 : i32
      %mul3A_136 = vector.broadcast %mul3A_135 : i32 to vector<16xi32>
      %mul3A_137 = arith.muli %add3A_134, %mul3A_136 : vector<16xi32>
      %add3A_138 = vector.broadcast %add3A_48 : i32 to vector<16xi32>
      %add3A_139 = arith.addi %mul3A_137, %add3A_138 : vector<16xi32>
      %swap3A_140 = arith.constant 112 : index
      %swap3A_141 = tpu.vector_load %arg4[%swap3A_140] {strides = array<i32>} : memref<128xi32, #tpu.memory_space<vmem>>, vector<16xi32>,
      %swap3A_142 = vector.shape_cast %swap3A_141 : vector<16xi32> to vector<16xi32>
      %swap3A_143 = vector.shape_cast %add3A_139 : vector<16xi32> to vector<16xi32>
      tpu.vector_store %arg4[%swap3A_140], %swap3A_143 {strides = array<i32>} : memref<128xi32, #tpu.memory_space<vmem>>, vector<16xi32>,
      %dma_start3A = arith.constant 0 : i32
      %dma_start3A_144 = tpu.memref_slice %arg2[%dma_start3A] : memref<20971520xf32, #tpu.memory_space<hbm>> -> memref<20971520xf32, #tpu.memory_space<hbm>>
      tpu.enqueue_indirect_dma source(%dma_start3A_144 : memref<20971520xf32, #tpu.memory_space<hbm>>) target(%arg5 : memref<128xf32, #tpu.memory_space<vmem>>) offsets(%arg4 : memref<128xi32, #tpu.memory_space<vmem>>) semaphore(%arg6 : memref<!tpu.dma_semaphore, #tpu.memory_space<semaphore_mem>>)
      %dma_wait3A = arith.constant 0 : i32
      %dma_wait3A_145 = tpu.memref_slice %arg2[%dma_wait3A] : memref<20971520xf32, #tpu.memory_space<hbm>> -> memref<20971520xf32, #tpu.memory_space<hbm>>
      tpu.wait_indirect_dma semaphore(%arg6 : memref<!tpu.dma_semaphore, #tpu.memory_space<semaphore_mem>>) src(%dma_wait3A_145 : memref<20971520xf32, #tpu.memory_space<hbm>>) dst(%arg5 : memref<128xf32, #tpu.memory_space<vmem>>)
      %mul3A_146 = arith.constant 128 : i32
      %mul3A_147 = arith.muli %add3A_1, %mul3A_146 : i32
      "tpu.region"() ({
        %run_scoped3A = tpu.sem_alloc : memref<!tpu.dma_semaphore, #tpu.memory_space<semaphore_mem>>
        %dma_start3A_148 = tpu.memref_slice %arg3[%mul3A_147] : memref<3200xf32, #tpu.memory_space<hbm>> -> memref<128xf32, #tpu.memory_space<hbm>>
        %dma_start3A_149 = tpu.memref_slice %arg3[%mul3A_147] : memref<3200xf32, #tpu.memory_space<hbm>> -> memref<128xf32, #tpu.memory_space<hbm>>
        tpu.enqueue_dma source(%arg5 : memref<128xf32, #tpu.memory_space<vmem>>) target(%dma_start3A_149 : memref<128xf32, #tpu.memory_space<hbm>>) target_semaphore(%run_scoped3A : memref<!tpu.dma_semaphore, #tpu.memory_space<semaphore_mem>>)
        %dma_wait3A_150 = tpu.memref_slice %arg3[%mul3A_147] : memref<3200xf32, #tpu.memory_space<hbm>> -> memref<128xf32, #tpu.memory_space<hbm>>
        %dma_wait3A_151 = tpu.memref_slice %arg3[%mul3A_147] : memref<3200xf32, #tpu.memory_space<hbm>> -> memref<128xf32, #tpu.memory_space<hbm>>
        tpu.wait_dma2 semaphore(%run_scoped3A : memref<!tpu.dma_semaphore, #tpu.memory_space<semaphore_mem>>) src(%arg5 : memref<128xf32, #tpu.memory_space<vmem>>) dst(%dma_wait3A_151 : memref<128xf32, #tpu.memory_space<hbm>>)
        tpu.yield
      }) : () -> ()
    } else {
    }
    %mul3A_4 = arith.constant 2 : i32
    %mul3A_5 = arith.muli %arg1, %mul3A_4 : i32
    %add3A_6 = arith.constant 1 : i32
    %add3A_7 = arith.addi %mul3A_5, %add3A_6 : i32
    %lt3A_8 = arith.constant 25 : i32
    %lt3A_9 = arith.cmpi slt, %add3A_7, %lt3A_8 : i32
    %convert_element_type3A_10 = arith.extui %lt3A_9 : i1 to i32
    %cond3A_11 = arith.constant 0 : i32
    %cond3A_12 = arith.cmpi ne, %convert_element_type3A_10, %cond3A_11 : i32
    scf.if %cond3A_12 {
      %jit3A = arith.constant 5 : i32
      %div3A = arith.divsi %add3A_7, %jit3A : i32
      %sign3A = arith.constant 0 : i32
      %sign3A_13 = arith.cmpi sgt, %add3A_7, %sign3A : i32
      %sign3A_14 = arith.extui %sign3A_13 : i1 to i32
      %sign3A_15 = arith.constant 0 : i32
      %sign3A_16 = arith.cmpi slt, %add3A_7, %sign3A_15 : i32
      %sign3A_17 = arith.extui %sign3A_16 : i1 to i32
      %sign3A_18 = arith.subi %sign3A_14, %sign3A_17 : i32
      %sign3A_19 = arith.constant 0 : i32
      %sign3A_20 = arith.cmpi sgt, %jit3A, %sign3A_19 : i32
      %sign3A_21 = arith.extui %sign3A_20 : i1 to i32
      %sign3A_22 = arith.constant 0 : i32
      %sign3A_23 = arith.cmpi slt, %jit3A, %sign3A_22 : i32
      %sign3A_24 = arith.extui %sign3A_23 : i1 to i32
      %sign3A_25 = arith.subi %sign3A_21, %sign3A_24 : i32
      %ne3A = arith.cmpi ne, %sign3A_18, %sign3A_25 : i32
      %rem3A = arith.remsi %add3A_7, %jit3A : i32
      %ne3A_26 = arith.constant 0 : i32
      %ne3A_27 = arith.cmpi ne, %rem3A, %ne3A_26 : i32
      %and3A = arith.andi %ne3A, %ne3A_27 : i1
      %sub3A = arith.constant 1 : i32
      %sub3A_28 = arith.subi %div3A, %sub3A : i32
      %select_n3A = arith.select %and3A, %sub3A_28, %div3A : i32
      %jit3A_29 = arith.constant 5 : i32
      %eq3A = arith.constant 0 : i32
      %eq3A_30 = arith.cmpi eq, %jit3A_29, %eq3A : i32
      %jit3A_31 = arith.constant 1 : i32
      %select_n3A_32 = arith.select %eq3A_30, %jit3A_31, %jit3A_29 : i32
      %rem3A_33 = arith.remsi %add3A_7, %select_n3A_32 : i32
      %ne3A_34 = arith.constant 0 : i32
      %ne3A_35 = arith.cmpi ne, %rem3A_33, %ne3A_34 : i32
      %lt3A_36 = arith.constant 0 : i32
      %lt3A_37 = arith.cmpi slt, %rem3A_33, %lt3A_36 : i32
      %lt3A_38 = arith.constant 0 : i32
      %lt3A_39 = arith.cmpi slt, %select_n3A_32, %lt3A_38 : i32
      %ne3A_40 = arith.xori %lt3A_37, %lt3A_39 : i1
      %and3A_41 = arith.andi %ne3A_40, %ne3A_35 : i1
      %add3A_42 = arith.addi %rem3A_33, %select_n3A_32 : i32
      %select_n3A_43 = arith.select %and3A_41, %add3A_42, %rem3A_33 : i32
      %mul3A_44 = arith.constant 32768 : i32
      %mul3A_45 = arith.muli %select_n3A_43, %mul3A_44 : i32
      %add3A_46 = arith.constant 1 : i32
      %add3A_47 = arith.addi %mul3A_45, %add3A_46 : i32
      %add3A_48 = arith.addi %add3A_47, %select_n3A : i32
      %add3A_49 = arith.constant 0 : i32
      %add3A_50 = vector.broadcast %add3A_49 : i32 to vector<16xi32>
      %add3A_51 = arith.addi %iota3A, %add3A_50 : vector<16xi32>
      %mul3A_52 = arith.constant 163840 : i32
      %mul3A_53 = vector.broadcast %mul3A_52 : i32 to vector<16xi32>
      %mul3A_54 = arith.muli %add3A_51, %mul3A_53 : vector<16xi32>
      %add3A_55 = vector.broadcast %add3A_48 : i32 to vector<16xi32>
      %add3A_56 = arith.addi %mul3A_54, %add3A_55 : vector<16xi32>
      %swap3A = arith.constant 0 : index
      %swap3A_57 = tpu.vector_load %arg4[%swap3A] {strides = array<i32>} : memref<128xi32, #tpu.memory_space<vmem>>, vector<16xi32>,
      %swap3A_58 = vector.shape_cast %swap3A_57 : vector<16xi32> to vector<16xi32>
      %swap3A_59 = vector.shape_cast %add3A_56 : vector<16xi32> to vector<16xi32>
      tpu.vector_store %arg4[%swap3A], %swap3A_59 {strides = array<i32>} : memref<128xi32, #tpu.memory_space<vmem>>, vector<16xi32>,
      %add3A_60 = arith.constant 16 : i32
      %add3A_61 = vector.broadcast %add3A_60 : i32 to vector<16xi32>
      %add3A_62 = arith.addi %iota3A, %add3A_61 : vector<16xi32>
      %mul3A_63 = arith.constant 163840 : i32
      %mul3A_64 = vector.broadcast %mul3A_63 : i32 to vector<16xi32>
      %mul3A_65 = arith.muli %add3A_62, %mul3A_64 : vector<16xi32>
      %add3A_66 = vector.broadcast %add3A_48 : i32 to vector<16xi32>
      %add3A_67 = arith.addi %mul3A_65, %add3A_66 : vector<16xi32>
      %swap3A_68 = arith.constant 16 : index
      %swap3A_69 = tpu.vector_load %arg4[%swap3A_68] {strides = array<i32>} : memref<128xi32, #tpu.memory_space<vmem>>, vector<16xi32>,
      %swap3A_70 = vector.shape_cast %swap3A_69 : vector<16xi32> to vector<16xi32>
      %swap3A_71 = vector.shape_cast %add3A_67 : vector<16xi32> to vector<16xi32>
      tpu.vector_store %arg4[%swap3A_68], %swap3A_71 {strides = array<i32>} : memref<128xi32, #tpu.memory_space<vmem>>, vector<16xi32>,
      %add3A_72 = arith.constant 32 : i32
      %add3A_73 = vector.broadcast %add3A_72 : i32 to vector<16xi32>
      %add3A_74 = arith.addi %iota3A, %add3A_73 : vector<16xi32>
      %mul3A_75 = arith.constant 163840 : i32
      %mul3A_76 = vector.broadcast %mul3A_75 : i32 to vector<16xi32>
      %mul3A_77 = arith.muli %add3A_74, %mul3A_76 : vector<16xi32>
      %add3A_78 = vector.broadcast %add3A_48 : i32 to vector<16xi32>
      %add3A_79 = arith.addi %mul3A_77, %add3A_78 : vector<16xi32>
      %swap3A_80 = arith.constant 32 : index
      %swap3A_81 = tpu.vector_load %arg4[%swap3A_80] {strides = array<i32>} : memref<128xi32, #tpu.memory_space<vmem>>, vector<16xi32>,
      %swap3A_82 = vector.shape_cast %swap3A_81 : vector<16xi32> to vector<16xi32>
      %swap3A_83 = vector.shape_cast %add3A_79 : vector<16xi32> to vector<16xi32>
      tpu.vector_store %arg4[%swap3A_80], %swap3A_83 {strides = array<i32>} : memref<128xi32, #tpu.memory_space<vmem>>, vector<16xi32>,
      %add3A_84 = arith.constant 48 : i32
      %add3A_85 = vector.broadcast %add3A_84 : i32 to vector<16xi32>
      %add3A_86 = arith.addi %iota3A, %add3A_85 : vector<16xi32>
      %mul3A_87 = arith.constant 163840 : i32
      %mul3A_88 = vector.broadcast %mul3A_87 : i32 to vector<16xi32>
      %mul3A_89 = arith.muli %add3A_86, %mul3A_88 : vector<16xi32>
      %add3A_90 = vector.broadcast %add3A_48 : i32 to vector<16xi32>
      %add3A_91 = arith.addi %mul3A_89, %add3A_90 : vector<16xi32>
      %swap3A_92 = arith.constant 48 : index
      %swap3A_93 = tpu.vector_load %arg4[%swap3A_92] {strides = array<i32>} : memref<128xi32, #tpu.memory_space<vmem>>, vector<16xi32>,
      %swap3A_94 = vector.shape_cast %swap3A_93 : vector<16xi32> to vector<16xi32>
      %swap3A_95 = vector.shape_cast %add3A_91 : vector<16xi32> to vector<16xi32>
      tpu.vector_store %arg4[%swap3A_92], %swap3A_95 {strides = array<i32>} : memref<128xi32, #tpu.memory_space<vmem>>, vector<16xi32>,
      %add3A_96 = arith.constant 64 : i32
      %add3A_97 = vector.broadcast %add3A_96 : i32 to vector<16xi32>
      %add3A_98 = arith.addi %iota3A, %add3A_97 : vector<16xi32>
      %mul3A_99 = arith.constant 163840 : i32
      %mul3A_100 = vector.broadcast %mul3A_99 : i32 to vector<16xi32>
      %mul3A_101 = arith.muli %add3A_98, %mul3A_100 : vector<16xi32>
      %add3A_102 = vector.broadcast %add3A_48 : i32 to vector<16xi32>
      %add3A_103 = arith.addi %mul3A_101, %add3A_102 : vector<16xi32>
      %swap3A_104 = arith.constant 64 : index
      %swap3A_105 = tpu.vector_load %arg4[%swap3A_104] {strides = array<i32>} : memref<128xi32, #tpu.memory_space<vmem>>, vector<16xi32>,
      %swap3A_106 = vector.shape_cast %swap3A_105 : vector<16xi32> to vector<16xi32>
      %swap3A_107 = vector.shape_cast %add3A_103 : vector<16xi32> to vector<16xi32>
      tpu.vector_store %arg4[%swap3A_104], %swap3A_107 {strides = array<i32>} : memref<128xi32, #tpu.memory_space<vmem>>, vector<16xi32>,
      %add3A_108 = arith.constant 80 : i32
      %add3A_109 = vector.broadcast %add3A_108 : i32 to vector<16xi32>
      %add3A_110 = arith.addi %iota3A, %add3A_109 : vector<16xi32>
      %mul3A_111 = arith.constant 163840 : i32
      %mul3A_112 = vector.broadcast %mul3A_111 : i32 to vector<16xi32>
      %mul3A_113 = arith.muli %add3A_110, %mul3A_112 : vector<16xi32>
      %add3A_114 = vector.broadcast %add3A_48 : i32 to vector<16xi32>
      %add3A_115 = arith.addi %mul3A_113, %add3A_114 : vector<16xi32>
      %swap3A_116 = arith.constant 80 : index
      %swap3A_117 = tpu.vector_load %arg4[%swap3A_116] {strides = array<i32>} : memref<128xi32, #tpu.memory_space<vmem>>, vector<16xi32>,
      %swap3A_118 = vector.shape_cast %swap3A_117 : vector<16xi32> to vector<16xi32>
      %swap3A_119 = vector.shape_cast %add3A_115 : vector<16xi32> to vector<16xi32>
      tpu.vector_store %arg4[%swap3A_116], %swap3A_119 {strides = array<i32>} : memref<128xi32, #tpu.memory_space<vmem>>, vector<16xi32>,
      %add3A_120 = arith.constant 96 : i32
      %add3A_121 = vector.broadcast %add3A_120 : i32 to vector<16xi32>
      %add3A_122 = arith.addi %iota3A, %add3A_121 : vector<16xi32>
      %mul3A_123 = arith.constant 163840 : i32
      %mul3A_124 = vector.broadcast %mul3A_123 : i32 to vector<16xi32>
      %mul3A_125 = arith.muli %add3A_122, %mul3A_124 : vector<16xi32>
      %add3A_126 = vector.broadcast %add3A_48 : i32 to vector<16xi32>
      %add3A_127 = arith.addi %mul3A_125, %add3A_126 : vector<16xi32>
      %swap3A_128 = arith.constant 96 : index
      %swap3A_129 = tpu.vector_load %arg4[%swap3A_128] {strides = array<i32>} : memref<128xi32, #tpu.memory_space<vmem>>, vector<16xi32>,
      %swap3A_130 = vector.shape_cast %swap3A_129 : vector<16xi32> to vector<16xi32>
      %swap3A_131 = vector.shape_cast %add3A_127 : vector<16xi32> to vector<16xi32>
      tpu.vector_store %arg4[%swap3A_128], %swap3A_131 {strides = array<i32>} : memref<128xi32, #tpu.memory_space<vmem>>, vector<16xi32>,
      %add3A_132 = arith.constant 112 : i32
      %add3A_133 = vector.broadcast %add3A_132 : i32 to vector<16xi32>
      %add3A_134 = arith.addi %iota3A, %add3A_133 : vector<16xi32>
      %mul3A_135 = arith.constant 163840 : i32
      %mul3A_136 = vector.broadcast %mul3A_135 : i32 to vector<16xi32>
      %mul3A_137 = arith.muli %add3A_134, %mul3A_136 : vector<16xi32>
      %add3A_138 = vector.broadcast %add3A_48 : i32 to vector<16xi32>
      %add3A_139 = arith.addi %mul3A_137, %add3A_138 : vector<16xi32>
      %swap3A_140 = arith.constant 112 : index
      %swap3A_141 = tpu.vector_load %arg4[%swap3A_140] {strides = array<i32>} : memref<128xi32, #tpu.memory_space<vmem>>, vector<16xi32>,
      %swap3A_142 = vector.shape_cast %swap3A_141 : vector<16xi32> to vector<16xi32>
      %swap3A_143 = vector.shape_cast %add3A_139 : vector<16xi32> to vector<16xi32>
      tpu.vector_store %arg4[%swap3A_140], %swap3A_143 {strides = array<i32>} : memref<128xi32, #tpu.memory_space<vmem>>, vector<16xi32>,
      %dma_start3A = arith.constant 0 : i32
      %dma_start3A_144 = tpu.memref_slice %arg2[%dma_start3A] : memref<20971520xf32, #tpu.memory_space<hbm>> -> memref<20971520xf32, #tpu.memory_space<hbm>>
      tpu.enqueue_indirect_dma source(%dma_start3A_144 : memref<20971520xf32, #tpu.memory_space<hbm>>) target(%arg5 : memref<128xf32, #tpu.memory_space<vmem>>) offsets(%arg4 : memref<128xi32, #tpu.memory_space<vmem>>) semaphore(%arg6 : memref<!tpu.dma_semaphore, #tpu.memory_space<semaphore_mem>>)
      %dma_wait3A = arith.constant 0 : i32
      %dma_wait3A_145 = tpu.memref_slice %arg2[%dma_wait3A] : memref<20971520xf32, #tpu.memory_space<hbm>> -> memref<20971520xf32, #tpu.memory_space<hbm>>
      tpu.wait_indirect_dma semaphore(%arg6 : memref<!tpu.dma_semaphore, #tpu.memory_space<semaphore_mem>>) src(%dma_wait3A_145 : memref<20971520xf32, #tpu.memory_space<hbm>>) dst(%arg5 : memref<128xf32, #tpu.memory_space<vmem>>)
      %mul3A_146 = arith.constant 128 : i32
      %mul3A_147 = arith.muli %add3A_7, %mul3A_146 : i32
      "tpu.region"() ({
        %run_scoped3A = tpu.sem_alloc : memref<!tpu.dma_semaphore, #tpu.memory_space<semaphore_mem>>
        %dma_start3A_148 = tpu.memref_slice %arg3[%mul3A_147] : memref<3200xf32, #tpu.memory_space<hbm>> -> memref<128xf32, #tpu.memory_space<hbm>>
        %dma_start3A_149 = tpu.memref_slice %arg3[%mul3A_147] : memref<3200xf32, #tpu.memory_space<hbm>> -> memref<128xf32, #tpu.memory_space<hbm>>
        tpu.enqueue_dma source(%arg5 : memref<128xf32, #tpu.memory_space<vmem>>) target(%dma_start3A_149 : memref<128xf32, #tpu.memory_space<hbm>>) target_semaphore(%run_scoped3A : memref<!tpu.dma_semaphore, #tpu.memory_space<semaphore_mem>>)
        %dma_wait3A_150 = tpu.memref_slice %arg3[%mul3A_147] : memref<3200xf32, #tpu.memory_space<hbm>> -> memref<128xf32, #tpu.memory_space<hbm>>
        %dma_wait3A_151 = tpu.memref_slice %arg3[%mul3A_147] : memref<3200xf32, #tpu.memory_space<hbm>> -> memref<128xf32, #tpu.memory_space<hbm>>
        tpu.wait_dma2 semaphore(%run_scoped3A : memref<!tpu.dma_semaphore, #tpu.memory_space<semaphore_mem>>) src(%arg5 : memref<128xf32, #tpu.memory_space<vmem>>) dst(%dma_wait3A_151 : memref<128xf32, #tpu.memory_space<hbm>>)
        tpu.yield
      }) : () -> ()
    } else {
    }
    return
  }
}

</mosaic_0001>

<sc_bundles>
// kernel: kernel.3.cloned.1.call-start
scs
__scs_entry_jumppad:
0x0: {  	(pc) =	sbr.rel $0x88, $3  }
0x1: {  	(tag) =	ssettag $0x0;
	lr =	simm.s32 $0x1  }
0x2: {  	[smem:$0x3FA0] =	sst lr;
	_ =	strace $0xD0000000  }
0x3: {  	_ = 	snop  }
0x4: {  	_ = 	snop  }
0x5: {  	_ = 	snop  }
0x6: {  	_ = 	snop  }
0x7: {  	_ = 	snop  }
__scs_overlays_trampoline_lowered:
0x8: {  	[smem:$0x3FAF] =	sst s0  }
0x9: {  	[smem:$0x3FB0] =	sst s1  }
0xa: {  	[smem:$0x3FB1] =	sst s2  }
0xb: {  	[smem:$0x3FB2] =	sst s3  }
0xc: {  	[smem:$0x3FB3] =	sst s4  }
0xd: {  	[smem:$0x3FB4] =	sst s5  }
0xe: {  	[smem:$0x3FB5] =	sst s6  }
0xf: {  	[smem:$0x3FB6] =	sst s7  }
0x10: {  	[smem:$0x3FB7] =	sst s8  }
0x11: {  	[smem:$0x3FB8] =	sst s9;
	s0 =	simm.s32 @!p0 $0x0  }
0x12: {  	s1 =	sld [smem:$0x3F9E];
	s0 =	simm.s32 @p0 $0x1  }
0x13: {  	[smem:$0x3FB9] =	sst s0;
	s0 =	simm.s32 @!p1 $0x0  }
0x14: {  	s2 =	sld [smem:$0x3F9D];
	s0 =	simm.s32 @p1 $0x1  }
0x15: {  	[smem:$0x3FBA] =	sst s0;
	s0 =	simm.s32 @!p2 $0x0  }
0x16: {  	s3 =	sld [smem:$0x3FDB];
	s0 =	simm.s32 @p2 $0x1  }
0x17: {  	s4 =	simm.s32 $0x1BF5;
	[smem:$0x3FBC] =	sst s0  }
0x18: {  	s0 =	sld [smem:$0x3F9F];
	_ =	swait.ge [sflag:s4], $0x0  }
0x19: {  	s7 =	sld [smem:$0x3FA0]  }
0x1a: {  	s8 =	sadd.s32 $0xFFFFE003, lr  }
0x1b: {  	s9 =	sadd.s32 $0xFFFFFEF7, lr;
	s5 =	simm.s32 $0xFFFFFFFF;
	p2 =	slt.u32 s8, $0xFFFFF086  }
0x1c: {  	p1 =	slt.u32 s9, $0xF7A;
	s5 =	simm.s32 @!p2 $0x0  }
0x1d: {  	s5 =	simm.s32 @p1 $0x1;
	p0 =	seq.s32 s7, s2  }
0x1e: {  	s7 =	smul.u32 @!p0 $0xF7A, s2;
	p2 =	seq.s32 @!p0 s5, $0x0  }
0x1f: {  	s9 =	smul.u32 $0xF7A, s1;
	s8 =	simm.s32 @!p0 $0x1BF5;
	p2 =	por !p2, p0  }
0x20: {  	[sflag:s8] =	ssyncset.s32 @!p0 $0xFFFFF086;
	s6 =	sadd.s32 @!p0 s3, s7;
	s7 =	simm.s32 @!p0 $0x108  }
0x21: {  	s3 =	sadd.s32 s3, s9;
	s6 =	sadd.s32 @!p0 $0x88, s6;
	s7 =	simm.s32 @p2 $0x1082  }
0x22: {  	[simem:s7], [sflag:s8] =	dma.local @!p0 [hbm:s6], $0xF7A  }
0x23: {  	s9 =	sor.u32 $0xD0000000, s2;
	s6 =	simm.s32 $0x108;
	_ =	swait.ge @!p0 [sflag:s8], $0x0  }
0x24: {  	s3 =	sadd.s32 $0x88, s3;
	s6 =	simm.s32 @!p1 $0x1082;
	[sflag:s4] =	ssyncset.s32 $0xFFFFF086  }
0x25: {  	[simem:s6], [sflag:s4] =	dma.local [hbm:s3], $0xF7A  }
0x26: {  	[smem:$0x3FA0] =	sst s1;
	(tag) =	ssettag s2;
	_ =	strace s9  }
0x27: {  	s1 =	sld [smem:$0x3FB0]  }
0x28: {  	s2 =	sld [smem:$0x3FB1]  }
0x29: {  	s4 =	sld [smem:$0x3FB3]  }
0x2a: {  	p0 =	seq.s32 s5, $0x0;
	s5 =	sld [smem:$0x3FB4]  }
0x2b: {  	s6 =	sld [smem:$0x3FB5]  }
0x2c: {  	s7 =	sld [smem:$0x3FB6]  }
0x2d: {  	s3 =	simm.s32 $0x108;
	s8 =	sld [smem:$0x3FB7]  }
0x2e: {  	s3 =	simm.s32 @!p0 $0x1082;
	s9 =	sld [smem:$0x3FB8]  }
0x2f: {  	lr =	sadd.s32 s0, s3;
	s0 =	sld [smem:$0x3FAF]  }
0x30: {  	s3 =	sld [smem:$0x3FB2]  }
0x31: {  	[smem:$0x3FBB] =	sst s10  }
0x32: {  	s10 =	sld [smem:$0x3FB9];
	_ =	sdelay $0x3  }
0x33: {  	p0 =	seq.s32 s10, $0x1;
	s10 =	sld [smem:$0x3FBB];
	_ =	sdelay $0x3  }
0x34: {  	[smem:$0x3FBB] =	sst s10  }
0x35: {  	s10 =	sld [smem:$0x3FBA];
	_ =	sdelay $0x3  }
0x36: {  	p1 =	seq.s32 s10, $0x1;
	s10 =	sld [smem:$0x3FBB];
	_ =	sdelay $0x3  }
0x37: {  	[smem:$0x3FBB] =	sst s10  }
0x38: {  	s10 =	sld [smem:$0x3FBC]  }
0x39: {  	_ = 	snop;
	(pc) =	sbr.ind lr, $3  }
0x3a: {  	_ = 	snop  }
0x3b: {  	_ = 	snop  }
0x3c: {  	p2 =	seq.s32 s10, $0x1;
	s10 =	sld [smem:$0x3FBB]  }
0x3d: {  	_ =	shalt  }
0x3e: {  	_ =	shalt  }
0x3f: {  	_ =	shalt  }
0x40: {  	_ =	shalt  }
0x41: {  	_ =	shalt  }
0x42: {  	_ =	shalt  }
0x43: {  	_ =	shalt  }
0x44: {  	_ =	shalt  }
0x45: {  	_ =	shalt  }
0x46: {  	_ =	shalt  }
0x47: {  	_ =	shalt  }
0x48: {  	_ =	shalt  }
0x49: {  	_ =	shalt  }
0x4a: {  	_ =	shalt  }
0x4b: {  	_ =	shalt  }
0x4c: {  	_ =	shalt  }
0x4d: {  	_ =	shalt  }
0x4e: {  	_ =	shalt  }
0x4f: {  	_ =	shalt  }
0x50: {  	_ =	shalt  }
0x51: {  	_ =	shalt  }
0x52: {  	_ =	shalt  }
0x53: {  	_ =	shalt  }
0x54: {  	_ =	shalt  }
0x55: {  	_ =	shalt  }
0x56: {  	_ =	shalt  }
0x57: {  	_ =	shalt  }
0x58: {  	_ =	shalt  }
0x59: {  	_ =	shalt  }
0x5a: {  	_ =	shalt  }
0x5b: {  	_ =	shalt  }
0x5c: {  	_ =	shalt  }
0x5d: {  	_ =	shalt  }
0x5e: {  	_ =	shalt  }
0x5f: {  	_ =	shalt  }
0x60: {  	_ =	shalt  }
0x61: {  	_ =	shalt  }
0x62: {  	_ =	shalt  }
0x63: {  	_ =	shalt  }
0x64: {  	_ =	shalt  }
0x65: {  	_ =	shalt  }
0x66: {  	_ =	shalt  }
0x67: {  	_ =	shalt  }
0x68: {  	_ =	shalt  }
0x69: {  	_ =	shalt  }
0x6a: {  	_ =	shalt  }
0x6b: {  	_ =	shalt  }
0x6c: {  	_ =	shalt  }
0x6d: {  	_ =	shalt  }
0x6e: {  	_ =	shalt  }
0x6f: {  	_ =	shalt  }
0x70: {  	_ =	shalt  }
0x71: {  	_ =	shalt  }
0x72: {  	_ =	shalt  }
0x73: {  	_ =	shalt  }
0x74: {  	_ =	shalt  }
0x75: {  	_ =	shalt  }
0x76: {  	_ =	shalt  }
0x77: {  	_ =	shalt  }
0x78: {  	_ =	shalt  }
0x79: {  	_ =	shalt  }
0x7a: {  	_ =	shalt  }
0x7b: {  	_ =	shalt  }
0x7c: {  	_ =	shalt  }
0x7d: {  	_ =	shalt  }
0x7e: {  	_ =	shalt  }
0x7f: {  	_ =	shalt  }
0x80: {  	_ =	shalt  }
0x81: {  	_ =	shalt  }
0x82: {  	_ =	shalt  }
0x83: {  	_ =	shalt  }
0x84: {  	_ =	shalt  }
0x85: {  	_ =	shalt  }
0x86: {  	_ =	shalt  }
0x87: {  	_ =	shalt  }
.Lfunc_end0:
.L_simem_size_0:
called_computation_lowered:
.L_overlay_start_0:
0x88: {  	s0 =	sld [smem:$0x3FD9]  }
0x89: {  	s1 =	sld [smem:$0x3FFE];
	_ =	sdelay $0x3  }
0x8a: {  	s0 =	sadd.s32 s1, s0  }
0x8b: {  	[smem:$0x3FC7] =	sst s0  }
0x8c: {  	_ = 	snop  }
0x8d: {  	s0 =	sld [smem:$0x3FC9];
	(tm) =	ssettm $0x1  }
0x8e: {  	s16 =	sld [smem:$0x3FFB];
	_ =	sdelay $0x3  }
0x8f: {  	_ =	strace s16  }
0x90: {  	s1 =	sld [smem:$0x3FFC];
	_ =	sdelay $0x3  }
0x91: {  	_ =	strace s1  }
0x92: {  	s1 =	sld [smem:$0x3FFD];
	_ =	sdelay $0x3  }
0x93: {  	_ =	strace s1  }
0x94: {  	_ =	strace $0x8FFFFFFF  }
0x95: {  	s17 =	sld [smem:$0x3FDB];
	_ =	sdelay $0x1  }
0x96: {  	s2 =	simm.s32 $_scs_section_size  }
0x97: {  	s3 =	simm.s32 $_size__tile_overlayer_lowered;
	s4 =	simm.s32 $_tile_overlayer_lowered  }
0x98: {  	s20 =	simm.s32 $0x1BFF;
	s19 =	sshll.u32 s4, $0x1;
	s1 =	sadd.s32 s2, s17  }
0x99: {  	s5 =	simm.s32 $0x0;
	s18 =	sshll.u32 s3, $0x1;
	s3 =	sadd.s32 s19, s1  }
0x9a: {  	[timem:s5], [sflag:s20] =	dma.local [hbm:s3], s18  }
0x9b: {  	_ =	swait.ge [sflag:s20], s18  }
0x9c: {  	s2 =	ssub.s32 $0x0, s18;
	[sflag:s20] =	ssyncset.done $0x0  }
0x9d: {  	[sflag:s20] =	ssyncadd.s32 s2;
	_ =	sdelay $0x1  }
0x9e: {  	s21 =	simm.s32 $0x1B8B  }
0x9f: {  	_ =	swait.ge [sflag:s21], $0x1  }
0xa0: {  	[sflag:s21] =	ssyncset.done $0x0  }
0xa1: {  	s23 =	simm.s32 $0x1B8E;
	s22 =	sld [smem:$0x3FFE];
	[sflag:s21] =	ssyncadd.s32 $0xFFFFFFFF  }
0xa2: {  	s24 =	simm.s32 $execute0_lowered;
	[smem:$0x3FD2] =	sst s23  }
0xa3: {  	s3 =	sshll.u32 s24, $0x1;
	_ =	strace $0x80000046;
	[dreg:$0x1] =	wrdreg $0xFFFFFFFF  }
0xa4: {  	s25 =	simm.s32 $_size_execute0_lowered;
	s1 =	sadd.s32 s1, s3;
	[dreg:$0x0] =	wrdreg $0x0  }
0xa5: {  	s3 =	sshll.u32 s25, $0x1;
	[dreg:$0x2] =	wrdreg s1  }
0xa6: {  	[dreg:$0x3] =	wrdreg s3  }
0xa7: {  	[dreg:$0x4] =	wrdreg $0xC0  }
0xa8: {  	_ =	task [dreg:s5], $0x5FFFF  }
0xa9: {  	[dreg:$0x1] =	wrdreg $0xFFFFFFFF  }
0xaa: {  	[dreg:$0x0] =	wrdreg $0x60  }
0xab: {  	[dreg:$0x2] =	wrdreg s0  }
0xac: {  	[dreg:$0x3] =	wrdreg s22  }
0xad: {  	[dreg:$0x4] =	wrdreg $0x9  }
0xae: {  	_ =	task.clear_ibuf [dreg:s5], $0x5FFFF;
	_ =	strace $0x90000046  }
0xaf: {  	s26 =	simm.s32 $0x9;
	_ =	strace $0x80000048  }
0xb0: {  	_ =	swait.ge [sflag:s26], $0x1  }
0xb1: {  	[sflag:s26] =	ssyncadd.s32 $0xFFFFFFFF  }
0xb2: {  	_ =	strace $0x90000048  }
0xb3: {  	_ =	sfence  }
0xb4: {  	s28 =	sld [smem:$0x0];
	_ =	sdelay $0x1  }
0xb5: {  	s29 =	srdreg.scid  }
0xb6: {  	s30 =	sshll.u32 s29, $0xD;
	s31 =	sshrl.u32 s29, $0x2  }
0xb7: {  	s2 =	sand.u32 $0x4000, s30;
	s1 =	sand.u32 $0x1, s29;
	s0 =	sadd.s32 s31, s28  }
0xb8: {  	s1 =	sor.u32 s2, s1;
	s0 =	sshll.u32 s0, $0x11  }
0xb9: {  	s0 =	sor.u32 s0, s1  }
0xba: {  	s0 =	sadd.s32 $0x8F2B, s0  }
0xbb: {  	[sflag:s0] =	ssyncadd.remote.s32 $0x1  }
0xbc: {  	_ =	sfence.sel $0xFFFF  }
0xbd: {  	[dreg:$0x0] =	wrdreg $0xFFFFFFFF;
	(pc) =	sbr.abs _section_cstart, $3  }
0xbe: {  	[dreg:$0x1] =	wrdreg $0xFFFFFFFF  }
0xbf: {  	_ =	task.clear_ibuf [dreg:s5], $0x2FFFF;
	_ =	strace $0x9FFFFFFF  }
0xc0: {  	(tm) =	ssettm $0x7FFFFFFF  }
0xc1: {  	_ =	shalt  }
tec
execute0_lowered:
.L_overlay_start_1:
0x0: {  	(tag) =	ssettag $0x1  }
0x1: {  	s0 =	stileid.u32  }
0x2: {  	s1 =	sshll.u32 s0, $0x1;
	p0 =	sgt.u32 s0, $0xC  }
0x3: {  	s2 =	smul.u32 @!p0 $0x34, s1;
	_ =	sdelay $0x1  }
0x4: {  	s3 =	sshrl.u32 @!p0 s2, $0x8  }
0x5: {  	s2 =	smul.u32 @!p0 $0x5, s3;
	_ =	sdelay $0x1  }
0x6: {  	s1 =	ssub.s32 @!p0 s1, s2  }
0x7: {  	s1 =	sand.u32 @!p0 $0xFF, s1  }
0x8: {  	v0 =	vlaneseq.u32 @!p0;
	s5 =	sshll.u32 @!p0 s1, $0xF  }
0x9: {  	s4 =	rddreg [dreg:$0x1];
	s6 =	simm.s32 $0x0;
	v0 =	vmul.u32 @!p0 $0x28000, v0;
	s3 =	sor.u32 @!p0 s5, s3  }
0xa: {  	[smem:$0x7FF] =	sst s6;
	s3 =	sadd.s32 @!p0 $0x1, s3  }
0xb: {  	v1 =	vadd.s32 @!p0 $0x280000, v0;
	s2 =	rddreg [dreg:$0x0];
	v2 =	vadd.s32 @!p0 s3, v0  }
0xc: {  	v3 =	vadd.s32 @!p0 $0x500000, v0;
	s1 =	rddreg [dreg:$0x2];
	_ =	strace $0x80000047;
	v1 =	vadd.s32 @!p0 s3, v1;
	[tilespmem:$0x0] =	vst @!p0 v2  }
0xd: {  	v3 =	vadd.s32 @!p0 s3, v3;
	v2 =	vadd.s32 @!p0 $0x780000, v0;
	[tilespmem:$0x10] =	vst @!p0 v1  }
0xe: {  	v1 =	vadd.s32 @!p0 $0xA00000, v0;
	[tilespmem:$0x20] =	vst @!p0 v3;
	v2 =	vadd.s32 @!p0 s3, v2  }
0xf: {  	v3 =	vadd.s32 @!p0 $0xC80000, v0;
	v1 =	vadd.s32 @!p0 s3, v1;
	[tilespmem:$0x30] =	vst @!p0 v2  }
0x10: {  	s29 =	sshllo.u32 s0, $0x1;
	v3 =	vadd.s32 @!p0 s3, v3;
	v2 =	vadd.s32 @!p0 $0xF00000, v0;
	[tilespmem:$0x40] =	vst @!p0 v1  }
0x11: {  	s7 =	smul.u32 $0x34, s29;
	v0 =	vadd.s32 @!p0 $0x1180000, v0;
	[tilespmem:$0x50] =	vst @!p0 v3;
	v1 =	vadd.s32 @!p0 s3, v2  }
0x12: {  	s6 =	simm.s32 @!p0 $0x80;
	v0 =	vadd.s32 @!p0 s3, v0;
	[tilespmem:$0x60] =	vst @!p0 v1  }
0x13: {  	s8 =	simm.s32 @!p0 $0x1;
	s7 =	sshrl.u32 s7, $0x8;
	s5 =	simm.s32 @!p0 $0x0;
	[tilespmem:$0x70] =	vst @!p0 v0  }
0x14: {  	[tilespmem:s6], [sflag:$0x1] =	stream.indirect.gather @!p0 [hbm4b:s2+s6], $0x1, s5, s6, $0xb8;
	[tilespmem:$0x100] =	vst v63  }
0x15: {  	s30 =	smul.u32 $0x5, s7;
	_ =	swait.ge @!p0 [sflag:s8], $0x80  }
0x16: {  	s4 =	sadd.s32 $0x400, s4;
	s9 =	sshll.u32 @!p0 s0, $0x5;
	[sflag:s8] =	ssyncset.done @!p0 $0x0  }
0x17: {  	s9 =	sadd.s32 @!p0 s4, s9;
	s31 =	ssub.s32 s29, s30;
	[sflag:s8] =	ssyncadd.s32 @!p0 $0xFFFFFF80  }
0x18: {  	[hbm4b:s9+s5] =	stream.linear.scatter @!p0 [tilespmem:s6], [sflag:$0x2], $0x80, $0x38;
	[tilespmem:$0x100] =	vst v63  }
0x19: {  	s5 =	sand.u32 $0xFF, s31  }
0x1a: {  	v57 =	vlaneseq.u32;
	s6 =	simm.s32 @!p0 $0x2;
	s5 =	sshll.u32 s5, $0xF  }
0x1b: {  	v0 =	vmul.u32 $0x28000, v57;
	_ =	swait.ge @!p0 [sflag:s6], $0x80;
	s5 =	sor.u32 s5, s7  }
0x1c: {  	[sflag:s6] =	ssyncset.done @!p0 $0x0;
	s5 =	sadd.s32 $0x1, s5  }
0x1d: {  	v58 =	vadd.s32 $0x280000, v0;
	[sflag:s6] =	ssyncadd.s32 @!p0 $0xFFFFFF80;
	p0 =	sgt.u32 s29, $0x18;
	v1 =	vadd.s32 s5, v0  }
0x1e: {  	v59 =	vadd.s32 $0x500000, v0;
	v60 =	vadd.s32 $0x780000, v0;
	v2 =	vadd.s32 s5, v58;
	[tilespmem:$0x0] =	vst @!p0 v1  }
0x1f: {  	v61 =	vadd.s32 $0xA00000, v0;
	v62 =	vadd.s32 $0xC80000, v0;
	v1 =	vadd.s32 s5, v59;
	[tilespmem:$0x10] =	vst @!p0 v2  }
0x20: {  	v63 =	vadd.s32 $0xF00000, v0;
	v0 =	vadd.s32 $0x1180000, v0;
	v2 =	vadd.s32 s5, v60;
	[tilespmem:$0x20] =	vst @!p0 v1  }
0x21: {  	v0 =	vadd.s32 s5, v0;
	[tilespmem:$0x30] =	vst @!p0 v2  }
0x22: {  	v1 =	vadd.s32 s5, v61;
	[tilespmem:$0x70] =	vst @!p0 v0  }
0x23: {  	v2 =	vadd.s32 s5, v62;
	[tilespmem:$0x40] =	vst @!p0 v1  }
0x24: {  	v1 =	vadd.s32 s5, v63;
	[tilespmem:$0x50] =	vst @!p0 v2  }
0x25: {  	s6 =	simm.s32 @!p0 $0x80;
	s5 =	simm.s32 @!p0 $0x0;
	[tilespmem:$0x60] =	vst @!p0 v1  }
0x26: {  	[tilespmem:s6], [sflag:$0x1] =	stream.indirect.gather @!p0 [hbm4b:s2+s6], $0x1, s5, s6, $0xb8;
	[tilespmem:$0x100] =	vst v63  }
0x27: {  	s2 =	simm.s32 @!p0 $0x1  }
0x28: {  	_ =	swait.ge @!p0 [sflag:s2], $0x80  }
0x29: {  	s3 =	sshll.u32 s29, $0x4;
	[sflag:s2] =	ssyncset.done @!p0 $0x0  }
0x2a: {  	s3 =	sadd.s32 s4, s3;
	[sflag:s2] =	ssyncadd.s32 @!p0 $0xFFFFFF80;
	s2 =	simm.s32 @!p0 $0x2  }
0x2b: {  	[hbm4b:s3+s5] =	stream.linear.scatter @!p0 [tilespmem:s6], [sflag:$0x2], $0x80, $0x38;
	[tilespmem:$0x100] =	vst v63  }
0x2c: {  	_ =	swait.ge @!p0 [sflag:s2], $0x80  }
0x2d: {  	[sflag:s2] =	ssyncset.done @!p0 $0x0  }
0x2e: {  	[sflag:s2] =	ssyncadd.s32 @!p0 $0xFFFFFF80  }
0x2f: {  	_ =	sfence.sel $0x180000  }
0x30: {  	[bflag:$0x0] =	sbarrier.arrive $0xFFFF  }
0x31: {  	p0 =	sne.s32 s0, $0x0;
	_ =	strace $0x90000047  }
0x32: {  	s0 =	sadd.s32 @!p0 $0x100000, s1;
	[bflag:$0x2] =	sbarrier.arrive $0xFFFF  }
0x33: {  	[sflag:s0] =	ssyncadd.tile.s32 @!p0 $0x1;
	_ =	shalt  }
.Lfunc_end2:
_tile_overlayer_lowered:
.L_overlay_start_2:
0x34: {  	(tag) =	ssettag $0x2  }
0x35: {  	s0 =	rddreg [dreg:$0x0];
	s2 =	stileid.u32  }
0x36: {  	s1 =	rddreg [dreg:$0x1];
	p0 =	sne.s32 s2, $0x0  }
0x37: {  	s3 =	rddreg [dreg:$0x2];
	[bflag:$0x3] =	sbarrier.arrive $0xFFFF;
	s2 =	simm.s32 @!p0 $0x1C02  }
0x38: {  	[timem:s3], [sflag:s2] =	dma.local @!p0 [hbm:s0], s1  }
0x39: {  	s0 =	simm.s32 @!p0 $0x2  }
0x3a: {  	_ =	swait.ge @!p0 [sflag:s0], s1  }
0x3b: {  	s1 =	ssub.s32 @!p0 $0x0, s1;
	[sflag:s0] =	ssyncset.done @!p0 $0x0  }
0x3c: {  	[sflag:s0] =	ssyncadd.s32 @!p0 s1  }
0x3d: {  	[bflag:$0x3] =	sbarrier.arrive $0xFFFF  }
0x3e: {  	_ =	shalt  }

</sc_bundles>
